<compile_context>
chip_gen: v7x
topology: tpu7x:2x2x1
jax: 0.10.2.dev20260603
libtpu: 0.0.44.dev20260713+nightly
codegen_flags: <defaults>
</compile_context>

<pallas_src>
import functools

import jax
import jax.numpy as jnp
from jax import lax
from jax.experimental import pallas as pl
from jax.experimental.pallas import tpu as pltpu
from jax.experimental.pallas import tpu_sc as plsc

VOCAB = 100000
EMBED_DIM = 32
BATCH = 1024
CTX = 20

LANES = 16
VB = 2048
IDX_CHUNK = 128


def _pool_kernel(nc, ns):
    nw = nc * ns
    b_per_w = BATCH // nw
    idx_per_w = b_per_w * CTX
    n_chunks = idx_per_w // IDX_CHUNK

    mesh = plsc.VectorSubcoreMesh(core_axis_name="c", subcore_axis_name="s")

    @functools.partial(
        pl.kernel,
        mesh=mesh,
        compiler_params=pltpu.CompilerParams(use_tc_tiling_on_sc=True),
        out_type=jax.ShapeDtypeStruct((BATCH, EMBED_DIM), jnp.float32),
        scratch_types=[
            pltpu.VMEM((idx_per_w,), jnp.int32),
            pltpu.VMEM((idx_per_w, 128), jnp.float32),
            pltpu.VMEM((b_per_w, EMBED_DIM), jnp.float32),
            pltpu.SemaphoreType.DMA,
        ],
    )
    def pool(idx_hbm, table_hbm, out_hbm, idx_v, rows_v, pool_v, sem):
        wid = lax.axis_index("s") * nc + lax.axis_index("c")
        pltpu.sync_copy(idx_hbm.at[pl.ds(wid * idx_per_w, idx_per_w)], idx_v)
        copies = []
        for j in range(n_chunks):
            copies.append(
                pltpu.async_copy(
                    table_hbm.at[idx_v.at[pl.ds(j * IDX_CHUNK, IDX_CHUNK)]],
                    rows_v.at[pl.ds(j * IDX_CHUNK, IDX_CHUNK)],
                    sem,
                )
            )
        for c in copies:
            c.wait()

        def body(i, _):
            acc0 = jnp.zeros((LANES,), jnp.float32)
            acc1 = jnp.zeros((LANES,), jnp.float32)
            for j in range(CTX):
                r = i * CTX + j
                acc0 = acc0 + rows_v[r, pl.ds(0, LANES)]
                acc1 = acc1 + rows_v[r, pl.ds(LANES, LANES)]
            pool_v[i, pl.ds(0, LANES)] = acc0 * (1.0 / CTX)
            pool_v[i, pl.ds(LANES, LANES)] = acc1 * (1.0 / CTX)
            return 0

        lax.fori_loop(0, b_per_w, body, 0)
        pltpu.sync_copy(pool_v, out_hbm.at[pl.ds(wid * b_per_w, b_per_w)])

    return pool


def _mm_body(pt_ref, w_ref, b_ref, o_ref):
    o = lax.dot_general(
        w_ref[...], pt_ref[...],
        (((0,), (0,)), ((), ())),
        preferred_element_type=jnp.float32,
    )
    o_ref[...] = o + jnp.transpose(b_ref[...])


def _matmul_t(pooled_t, W, b2):
    nvb = pl.cdiv(VOCAB, VB)
    return pl.pallas_call(
        _mm_body,
        grid=(nvb,),
        in_specs=[
            pl.BlockSpec((EMBED_DIM, BATCH), lambda i: (0, 0)),
            pl.BlockSpec((EMBED_DIM, VB), lambda i: (0, i)),
            pl.BlockSpec((1, VB), lambda i: (0, i)),
        ],
        out_specs=pl.BlockSpec((VB, BATCH), lambda i: (i, 0)),
        out_shape=jax.ShapeDtypeStruct((VOCAB, BATCH), jnp.float32),
    )(pooled_t, W, b2)


def kernel(inputs, table, W, b):
    info = plsc.get_sparse_core_info()
    nc, ns = info.num_cores, info.num_subcores
    idx = inputs.astype(jnp.int32).reshape(-1)
    table128 = jnp.pad(table, ((0, 0), (0, 128 - EMBED_DIM)))
    pooled = _pool_kernel(nc, ns)(idx, table128)
    out_t = _matmul_t(pooled.T, W, b.reshape(1, VOCAB))
    return out_t.T

# --- scband reference (transcript-rebuilt; emitter-appended) ---
"""Pipeline reference for scband-cbowmodel-55705725829180 (READ-ONLY COPY).

The authoritative reference and input builder live on the scoring server;
editing this copy changes nothing except your own understanding.
"""

import jax, jax.numpy as jnp
import numpy as np

VOCAB = 100000
EMBED_DIM = 32
BATCH = 1024
CTX = 20

def setup_inputs(seed: int = 0) -> dict:
    key = jax.random.key(seed)
    k1, k2, k3, k4 = jax.random.split(key, 4)
    inputs = jax.random.randint(k1, (BATCH, CTX), 0, VOCAB, dtype=jnp.int64 if jax.config.jax_enable_x64 else jnp.int32)
    table = jax.random.normal(k2, (VOCAB, EMBED_DIM), dtype=jnp.float32) * 0.05
    W = jax.random.normal(k3, (EMBED_DIM, VOCAB), dtype=jnp.float32) * (1.0 / np.sqrt(EMBED_DIM))
    b = jnp.zeros((VOCAB,), dtype=jnp.float32)
    return {"inputs": inputs, "table": table, "W": W, "b": b}

def reference(inputs, table, W, b):
    # Embedding lookup: gather rows of the table
    embedded = jnp.take(table, inputs, axis=0)          # [B, CTX, D]
    pooled = jnp.mean(embedded, axis=1)                 # [B, D]
    logits = pooled @ W + b                             # [B, VOCAB]
    return logits

if __name__ == "__main__":
    import jax
    _d = setup_inputs()
    print(jax.jit(kernel)(*tuple(_d.values())))

</pallas_src>

<mosaic_0001>
#map = affine_map<(d0, d1) -> (0)>
#map1 = affine_map<(d0, d1) -> (0, 0)>
module attributes {stable_mosaic.version = 14 : i64} {
  func.func @pool(%arg0: i32, %arg1: i32, %arg2: memref<20480xi32, #tpu.memory_space<hbm>>, %arg3: memref<100000x128xf32, #tpu.memory_space<hbm>>, %arg4: memref<1024x32xf32, #tpu.memory_space<hbm>>, %arg5: memref<640xi32, #tpu.memory_space<vmem>>, %arg6: memref<640x128xf32, #tpu.memory_space<vmem>>, %arg7: memref<32x32xf32, #tpu.memory_space<vmem>>, %arg8: memref<!tpu.dma_semaphore, #tpu.memory_space<semaphore_mem>>) attributes {dimension_semantics = [#tpu.dimension_semantics<core_parallel>, #tpu.dimension_semantics<subcore_parallel>], iteration_bounds = array<i64: 2, 16>, scalar_prefetch = 0 : i64, scratch_operands = 4 : i64, tpu.core_type = #tpu.core_type<sc_vector_subcore>, window_params = [{transform_indices = #map}, {transform_indices = #map1}, {transform_indices = #map1}]} {
    %mul3A = arith.constant 2 : i32
    %mul3A_0 = arith.muli %arg1, %mul3A : i32
    %add3A = arith.addi %mul3A_0, %arg0 : i32
    %mul3A_1 = arith.constant 640 : i32
    %mul3A_2 = arith.muli %add3A, %mul3A_1 : i32
    "tpu.region"() ({
      %run_scoped3A = tpu.sem_alloc : memref<!tpu.dma_semaphore, #tpu.memory_space<semaphore_mem>>
      %dma_start3A_89 = tpu.memref_slice %arg2[%mul3A_2] : memref<20480xi32, #tpu.memory_space<hbm>> -> memref<640xi32, #tpu.memory_space<hbm>>
      %dma_start3A_90 = tpu.memref_slice %arg2[%mul3A_2] : memref<20480xi32, #tpu.memory_space<hbm>> -> memref<640xi32, #tpu.memory_space<hbm>>
      tpu.enqueue_dma source(%dma_start3A_90 : memref<640xi32, #tpu.memory_space<hbm>>) target(%arg5 : memref<640xi32, #tpu.memory_space<vmem>>) target_semaphore(%run_scoped3A : memref<!tpu.dma_semaphore, #tpu.memory_space<semaphore_mem>>)
      %dma_wait3A_91 = tpu.memref_slice %arg2[%mul3A_2] : memref<20480xi32, #tpu.memory_space<hbm>> -> memref<640xi32, #tpu.memory_space<hbm>>
      %dma_wait3A_92 = tpu.memref_slice %arg2[%mul3A_2] : memref<20480xi32, #tpu.memory_space<hbm>> -> memref<640xi32, #tpu.memory_space<hbm>>
      tpu.wait_dma2 semaphore(%run_scoped3A : memref<!tpu.dma_semaphore, #tpu.memory_space<semaphore_mem>>) src(%dma_wait3A_92 : memref<640xi32, #tpu.memory_space<hbm>>) dst(%arg5 : memref<640xi32, #tpu.memory_space<vmem>>)
      tpu.yield
    }) : () -> ()
    %dma_start3A = arith.constant 0 : i32
    %dma_start3A_3 = arith.constant 0 : i32
    %dma_start3A_4 = tpu.memref_slice %arg6[%dma_start3A, %dma_start3A_3] : memref<640x128xf32, #tpu.memory_space<vmem>> -> memref<128x128xf32, #tpu.memory_space<vmem>>
    %dma_start3A_5 = arith.constant 0 : i32
    %dma_start3A_6 = tpu.memref_slice %arg5[%dma_start3A_5] : memref<640xi32, #tpu.memory_space<vmem>> -> memref<128xi32, #tpu.memory_space<vmem>>
    %dma_start3A_7 = arith.constant 0 : i32
    %dma_start3A_8 = arith.constant 0 : i32
    %dma_start3A_9 = tpu.memref_slice %arg3[%dma_start3A_7, %dma_start3A_8] : memref<100000x128xf32, #tpu.memory_space<hbm>> -> memref<100000x128xf32, #tpu.memory_space<hbm>>
    tpu.enqueue_indirect_dma source(%dma_start3A_9 : memref<100000x128xf32, #tpu.memory_space<hbm>>) target(%dma_start3A_4 : memref<128x128xf32, #tpu.memory_space<vmem>>) offsets(%dma_start3A_6 : memref<128xi32, #tpu.memory_space<vmem>>) semaphore(%arg8 : memref<!tpu.dma_semaphore, #tpu.memory_space<semaphore_mem>>)
    %dma_start3A_10 = arith.constant 128 : i32
    %dma_start3A_11 = arith.constant 0 : i32
    %dma_start3A_12 = tpu.memref_slice %arg6[%dma_start3A_10, %dma_start3A_11] : memref<640x128xf32, #tpu.memory_space<vmem>> -> memref<128x128xf32, #tpu.memory_space<vmem>>
    %dma_start3A_13 = arith.constant 128 : i32
    %dma_start3A_14 = tpu.memref_slice %arg5[%dma_start3A_13] : memref<640xi32, #tpu.memory_space<vmem>> -> memref<128xi32, #tpu.memory_space<vmem>>
    %dma_start3A_15 = arith.constant 0 : i32
    %dma_start3A_16 = arith.constant 0 : i32
    %dma_start3A_17 = tpu.memref_slice %arg3[%dma_start3A_15, %dma_start3A_16] : memref<100000x128xf32, #tpu.memory_space<hbm>> -> memref<100000x128xf32, #tpu.memory_space<hbm>>
    tpu.enqueue_indirect_dma source(%dma_start3A_17 : memref<100000x128xf32, #tpu.memory_space<hbm>>) target(%dma_start3A_12 : memref<128x128xf32, #tpu.memory_space<vmem>>) offsets(%dma_start3A_14 : memref<128xi32, #tpu.memory_space<vmem>>) semaphore(%arg8 : memref<!tpu.dma_semaphore, #tpu.memory_space<semaphore_mem>>)
    %dma_start3A_18 = arith.constant 256 : i32
    %dma_start3A_19 = arith.constant 0 : i32
    %dma_start3A_20 = tpu.memref_slice %arg6[%dma_start3A_18, %dma_start3A_19] : memref<640x128xf32, #tpu.memory_space<vmem>> -> memref<128x128xf32, #tpu.memory_space<vmem>>
    %dma_start3A_21 = arith.constant 256 : i32
    %dma_start3A_22 = tpu.memref_slice %arg5[%dma_start3A_21] : memref<640xi32, #tpu.memory_space<vmem>> -> memref<128xi32, #tpu.memory_space<vmem>>
    %dma_start3A_23 = arith.constant 0 : i32
    %dma_start3A_24 = arith.constant 0 : i32
    %dma_start3A_25 = tpu.memref_slice %arg3[%dma_start3A_23, %dma_start3A_24] : memref<100000x128xf32, #tpu.memory_space<hbm>> -> memref<100000x128xf32, #tpu.memory_space<hbm>>
    tpu.enqueue_indirect_dma source(%dma_start3A_25 : memref<100000x128xf32, #tpu.memory_space<hbm>>) target(%dma_start3A_20 : memref<128x128xf32, #tpu.memory_space<vmem>>) offsets(%dma_start3A_22 : memref<128xi32, #tpu.memory_space<vmem>>) semaphore(%arg8 : memref<!tpu.dma_semaphore, #tpu.memory_space<semaphore_mem>>)
    %dma_start3A_26 = arith.constant 384 : i32
    %dma_start3A_27 = arith.constant 0 : i32
    %dma_start3A_28 = tpu.memref_slice %arg6[%dma_start3A_26, %dma_start3A_27] : memref<640x128xf32, #tpu.memory_space<vmem>> -> memref<128x128xf32, #tpu.memory_space<vmem>>
    %dma_start3A_29 = arith.constant 384 : i32
    %dma_start3A_30 = tpu.memref_slice %arg5[%dma_start3A_29] : memref<640xi32, #tpu.memory_space<vmem>> -> memref<128xi32, #tpu.memory_space<vmem>>
    %dma_start3A_31 = arith.constant 0 : i32
    %dma_start3A_32 = arith.constant 0 : i32
    %dma_start3A_33 = tpu.memref_slice %arg3[%dma_start3A_31, %dma_start3A_32] : memref<100000x128xf32, #tpu.memory_space<hbm>> -> memref<100000x128xf32, #tpu.memory_space<hbm>>
    tpu.enqueue_indirect_dma source(%dma_start3A_33 : memref<100000x128xf32, #tpu.memory_space<hbm>>) target(%dma_start3A_28 : memref<128x128xf32, #tpu.memory_space<vmem>>) offsets(%dma_start3A_30 : memref<128xi32, #tpu.memory_space<vmem>>) semaphore(%arg8 : memref<!tpu.dma_semaphore, #tpu.memory_space<semaphore_mem>>)
    %dma_start3A_34 = arith.constant 512 : i32
    %dma_start3A_35 = arith.constant 0 : i32
    %dma_start3A_36 = tpu.memref_slice %arg6[%dma_start3A_34, %dma_start3A_35] : memref<640x128xf32, #tpu.memory_space<vmem>> -> memref<128x128xf32, #tpu.memory_space<vmem>>
    %dma_start3A_37 = arith.constant 512 : i32
    %dma_start3A_38 = tpu.memref_slice %arg5[%dma_start3A_37] : memref<640xi32, #tpu.memory_space<vmem>> -> memref<128xi32, #tpu.memory_space<vmem>>
    %dma_start3A_39 = arith.constant 0 : i32
    %dma_start3A_40 = arith.constant 0 : i32
    %dma_start3A_41 = tpu.memref_slice %arg3[%dma_start3A_39, %dma_start3A_40] : memref<100000x128xf32, #tpu.memory_space<hbm>> -> memref<100000x128xf32, #tpu.memory_space<hbm>>
    tpu.enqueue_indirect_dma source(%dma_start3A_41 : memref<100000x128xf32, #tpu.memory_space<hbm>>) target(%dma_start3A_36 : memref<128x128xf32, #tpu.memory_space<vmem>>) offsets(%dma_start3A_38 : memref<128xi32, #tpu.memory_space<vmem>>) semaphore(%arg8 : memref<!tpu.dma_semaphore, #tpu.memory_space<semaphore_mem>>)
    %dma_wait3A = arith.constant 0 : i32
    %dma_wait3A_42 = arith.constant 0 : i32
    %dma_wait3A_43 = tpu.memref_slice %arg6[%dma_wait3A, %dma_wait3A_42] : memref<640x128xf32, #tpu.memory_space<vmem>> -> memref<128x128xf32, #tpu.memory_space<vmem>>
    %dma_wait3A_44 = arith.constant 0 : i32
    %dma_wait3A_45 = tpu.memref_slice %arg5[%dma_wait3A_44] : memref<640xi32, #tpu.memory_space<vmem>> -> memref<128xi32, #tpu.memory_space<vmem>>
    %dma_wait3A_46 = arith.constant 0 : i32
    %dma_wait3A_47 = arith.constant 0 : i32
    %dma_wait3A_48 = tpu.memref_slice %arg3[%dma_wait3A_46, %dma_wait3A_47] : memref<100000x128xf32, #tpu.memory_space<hbm>> -> memref<100000x128xf32, #tpu.memory_space<hbm>>
    tpu.wait_indirect_dma semaphore(%arg8 : memref<!tpu.dma_semaphore, #tpu.memory_space<semaphore_mem>>) src(%dma_wait3A_48 : memref<100000x128xf32, #tpu.memory_space<hbm>>) dst(%dma_wait3A_43 : memref<128x128xf32, #tpu.memory_space<vmem>>)
    %dma_wait3A_49 = arith.constant 128 : i32
    %dma_wait3A_50 = arith.constant 0 : i32
    %dma_wait3A_51 = tpu.memref_slice %arg6[%dma_wait3A_49, %dma_wait3A_50] : memref<640x128xf32, #tpu.memory_space<vmem>> -> memref<128x128xf32, #tpu.memory_space<vmem>>
    %dma_wait3A_52 = arith.constant 128 : i32
    %dma_wait3A_53 = tpu.memref_slice %arg5[%dma_wait3A_52] : memref<640xi32, #tpu.memory_space<vmem>> -> memref<128xi32, #tpu.memory_space<vmem>>
    %dma_wait3A_54 = arith.constant 0 : i32
    %dma_wait3A_55 = arith.constant 0 : i32
    %dma_wait3A_56 = tpu.memref_slice %arg3[%dma_wait3A_54, %dma_wait3A_55] : memref<100000x128xf32, #tpu.memory_space<hbm>> -> memref<100000x128xf32, #tpu.memory_space<hbm>>
    tpu.wait_indirect_dma semaphore(%arg8 : memref<!tpu.dma_semaphore, #tpu.memory_space<semaphore_mem>>) src(%dma_wait3A_56 : memref<100000x128xf32, #tpu.memory_space<hbm>>) dst(%dma_wait3A_51 : memref<128x128xf32, #tpu.memory_space<vmem>>)
    %dma_wait3A_57 = arith.constant 256 : i32
    %dma_wait3A_58 = arith.constant 0 : i32
    %dma_wait3A_59 = tpu.memref_slice %arg6[%dma_wait3A_57, %dma_wait3A_58] : memref<640x128xf32, #tpu.memory_space<vmem>> -> memref<128x128xf32, #tpu.memory_space<vmem>>
    %dma_wait3A_60 = arith.constant 256 : i32
    %dma_wait3A_61 = tpu.memref_slice %arg5[%dma_wait3A_60] : memref<640xi32, #tpu.memory_space<vmem>> -> memref<128xi32, #tpu.memory_space<vmem>>
    %dma_wait3A_62 = arith.constant 0 : i32
    %dma_wait3A_63 = arith.constant 0 : i32
    %dma_wait3A_64 = tpu.memref_slice %arg3[%dma_wait3A_62, %dma_wait3A_63] : memref<100000x128xf32, #tpu.memory_space<hbm>> -> memref<100000x128xf32, #tpu.memory_space<hbm>>
    tpu.wait_indirect_dma semaphore(%arg8 : memref<!tpu.dma_semaphore, #tpu.memory_space<semaphore_mem>>) src(%dma_wait3A_64 : memref<100000x128xf32, #tpu.memory_space<hbm>>) dst(%dma_wait3A_59 : memref<128x128xf32, #tpu.memory_space<vmem>>)
    %dma_wait3A_65 = arith.constant 384 : i32
    %dma_wait3A_66 = arith.constant 0 : i32
    %dma_wait3A_67 = tpu.memref_slice %arg6[%dma_wait3A_65, %dma_wait3A_66] : memref<640x128xf32, #tpu.memory_space<vmem>> -> memref<128x128xf32, #tpu.memory_space<vmem>>
    %dma_wait3A_68 = arith.constant 384 : i32
    %dma_wait3A_69 = tpu.memref_slice %arg5[%dma_wait3A_68] : memref<640xi32, #tpu.memory_space<vmem>> -> memref<128xi32, #tpu.memory_space<vmem>>
    %dma_wait3A_70 = arith.constant 0 : i32
    %dma_wait3A_71 = arith.constant 0 : i32
    %dma_wait3A_72 = tpu.memref_slice %arg3[%dma_wait3A_70, %dma_wait3A_71] : memref<100000x128xf32, #tpu.memory_space<hbm>> -> memref<100000x128xf32, #tpu.memory_space<hbm>>
    tpu.wait_indirect_dma semaphore(%arg8 : memref<!tpu.dma_semaphore, #tpu.memory_space<semaphore_mem>>) src(%dma_wait3A_72 : memref<100000x128xf32, #tpu.memory_space<hbm>>) dst(%dma_wait3A_67 : memref<128x128xf32, #tpu.memory_space<vmem>>)
    %dma_wait3A_73 = arith.constant 512 : i32
    %dma_wait3A_74 = arith.constant 0 : i32
    %dma_wait3A_75 = tpu.memref_slice %arg6[%dma_wait3A_73, %dma_wait3A_74] : memref<640x128xf32, #tpu.memory_space<vmem>> -> memref<128x128xf32, #tpu.memory_space<vmem>>
    %dma_wait3A_76 = arith.constant 512 : i32
    %dma_wait3A_77 = tpu.memref_slice %arg5[%dma_wait3A_76] : memref<640xi32, #tpu.memory_space<vmem>> -> memref<128xi32, #tpu.memory_space<vmem>>
    %dma_wait3A_78 = arith.constant 0 : i32
    %dma_wait3A_79 = arith.constant 0 : i32
    %dma_wait3A_80 = tpu.memref_slice %arg3[%dma_wait3A_78, %dma_wait3A_79] : memref<100000x128xf32, #tpu.memory_space<hbm>> -> memref<100000x128xf32, #tpu.memory_space<hbm>>
    tpu.wait_indirect_dma semaphore(%arg8 : memref<!tpu.dma_semaphore, #tpu.memory_space<semaphore_mem>>) src(%dma_wait3A_80 : memref<100000x128xf32, #tpu.memory_space<hbm>>) dst(%dma_wait3A_75 : memref<128x128xf32, #tpu.memory_space<vmem>>)
    %scan3A = arith.constant 0 : i32
    %scan3A_81 = arith.constant 0 : i32
    %scan3A_82 = arith.constant 32 : i32
    %scan3A_83 = arith.addi %scan3A_81, %scan3A_82 : i32
    %scan3A_84 = arith.constant 1 : i32
    %scan3A_85 = scf.for %scan3A_89 = %scan3A_81 to %scan3A_83 step %scan3A_84 iter_args(%scan3A_90 = %scan3A) -> (i32)  : i32 {
      %broadcast_in_dim3A = arith.constant 0.000000e+00 : f32
      %broadcast_in_dim3A_91 = vector.broadcast %broadcast_in_dim3A : f32 to vector<16xf32>
      %broadcast_in_dim3A_92 = arith.constant 0.000000e+00 : f32
      %broadcast_in_dim3A_93 = vector.broadcast %broadcast_in_dim3A_92 : f32 to vector<16xf32>
      %mul3A_94 = arith.constant 20 : i32
      %mul3A_95 = arith.muli %scan3A_89, %mul3A_94 : i32
      %add3A_96 = arith.constant 0 : i32
      %add3A_97 = arith.addi %mul3A_95, %add3A_96 : i32
      %get3A = arith.index_cast %add3A_97 : i32 to index
      %get3A_98 = arith.constant 0 : index
      %get3A_99 = tpu.vector_load %arg6[%get3A, %get3A_98] {strides = array<i32>} : memref<640x128xf32, #tpu.memory_space<vmem>>, vector<1x16xf32>,
      %get3A_100 = vector.shape_cast %get3A_99 : vector<1x16xf32> to vector<16xf32>
      %add3A_101 = arith.addf %broadcast_in_dim3A_91, %get3A_100 : vector<16xf32>
      %get3A_102 = arith.index_cast %add3A_97 : i32 to index
      %get3A_103 = arith.constant 16 : index
      %get3A_104 = tpu.vector_load %arg6[%get3A_102, %get3A_103] {strides = array<i32>} : memref<640x128xf32, #tpu.memory_space<vmem>>, vector<1x16xf32>,
      %get3A_105 = vector.shape_cast %get3A_104 : vector<1x16xf32> to vector<16xf32>
      %add3A_106 = arith.addf %broadcast_in_dim3A_93, %get3A_105 : vector<16xf32>
      %mul3A_107 = arith.constant 20 : i32
      %mul3A_108 = arith.muli %scan3A_89, %mul3A_107 : i32
      %add3A_109 = arith.constant 1 : i32
      %add3A_110 = arith.addi %mul3A_108, %add3A_109 : i32
      %get3A_111 = arith.index_cast %add3A_110 : i32 to index
      %get3A_112 = arith.constant 0 : index
      %get3A_113 = tpu.vector_load %arg6[%get3A_111, %get3A_112] {strides = array<i32>} : memref<640x128xf32, #tpu.memory_space<vmem>>, vector<1x16xf32>,
      %get3A_114 = vector.shape_cast %get3A_113 : vector<1x16xf32> to vector<16xf32>
      %add3A_115 = arith.addf %add3A_101, %get3A_114 : vector<16xf32>
      %get3A_116 = arith.index_cast %add3A_110 : i32 to index
      %get3A_117 = arith.constant 16 : index
      %get3A_118 = tpu.vector_load %arg6[%get3A_116, %get3A_117] {strides = array<i32>} : memref<640x128xf32, #tpu.memory_space<vmem>>, vector<1x16xf32>,
      %get3A_119 = vector.shape_cast %get3A_118 : vector<1x16xf32> to vector<16xf32>
      %add3A_120 = arith.addf %add3A_106, %get3A_119 : vector<16xf32>
      %mul3A_121 = arith.constant 20 : i32
      %mul3A_122 = arith.muli %scan3A_89, %mul3A_121 : i32
      %add3A_123 = arith.constant 2 : i32
      %add3A_124 = arith.addi %mul3A_122, %add3A_123 : i32
      %get3A_125 = arith.index_cast %add3A_124 : i32 to index
      %get3A_126 = arith.constant 0 : index
      %get3A_127 = tpu.vector_load %arg6[%get3A_125, %get3A_126] {strides = array<i32>} : memref<640x128xf32, #tpu.memory_space<vmem>>, vector<1x16xf32>,
      %get3A_128 = vector.shape_cast %get3A_127 : vector<1x16xf32> to vector<16xf32>
      %add3A_129 = arith.addf %add3A_115, %get3A_128 : vector<16xf32>
      %get3A_130 = arith.index_cast %add3A_124 : i32 to index
      %get3A_131 = arith.constant 16 : index
      %get3A_132 = tpu.vector_load %arg6[%get3A_130, %get3A_131] {strides = array<i32>} : memref<640x128xf32, #tpu.memory_space<vmem>>, vector<1x16xf32>,
      %get3A_133 = vector.shape_cast %get3A_132 : vector<1x16xf32> to vector<16xf32>
      %add3A_134 = arith.addf %add3A_120, %get3A_133 : vector<16xf32>
      %mul3A_135 = arith.constant 20 : i32
      %mul3A_136 = arith.muli %scan3A_89, %mul3A_135 : i32
      %add3A_137 = arith.constant 3 : i32
      %add3A_138 = arith.addi %mul3A_136, %add3A_137 : i32
      %get3A_139 = arith.index_cast %add3A_138 : i32 to index
      %get3A_140 = arith.constant 0 : index
      %get3A_141 = tpu.vector_load %arg6[%get3A_139, %get3A_140] {strides = array<i32>} : memref<640x128xf32, #tpu.memory_space<vmem>>, vector<1x16xf32>,
      %get3A_142 = vector.shape_cast %get3A_141 : vector<1x16xf32> to vector<16xf32>
      %add3A_143 = arith.addf %add3A_129, %get3A_142 : vector<16xf32>
      %get3A_144 = arith.index_cast %add3A_138 : i32 to index
      %get3A_145 = arith.constant 16 : index
      %get3A_146 = tpu.vector_load %arg6[%get3A_144, %get3A_145] {strides = array<i32>} : memref<640x128xf32, #tpu.memory_space<vmem>>, vector<1x16xf32>,
      %get3A_147 = vector.shape_cast %get3A_146 : vector<1x16xf32> to vector<16xf32>
      %add3A_148 = arith.addf %add3A_134, %get3A_147 : vector<16xf32>
      %mul3A_149 = arith.constant 20 : i32
      %mul3A_150 = arith.muli %scan3A_89, %mul3A_149 : i32
      %add3A_151 = arith.constant 4 : i32
      %add3A_152 = arith.addi %mul3A_150, %add3A_151 : i32
      %get3A_153 = arith.index_cast %add3A_152 : i32 to index
      %get3A_154 = arith.constant 0 : index
      %get3A_155 = tpu.vector_load %arg6[%get3A_153, %get3A_154] {strides = array<i32>} : memref<640x128xf32, #tpu.memory_space<vmem>>, vector<1x16xf32>,
      %get3A_156 = vector.shape_cast %get3A_155 : vector<1x16xf32> to vector<16xf32>
      %add3A_157 = arith.addf %add3A_143, %get3A_156 : vector<16xf32>
      %get3A_158 = arith.index_cast %add3A_152 : i32 to index
      %get3A_159 = arith.constant 16 : index
      %get3A_160 = tpu.vector_load %arg6[%get3A_158, %get3A_159] {strides = array<i32>} : memref<640x128xf32, #tpu.memory_space<vmem>>, vector<1x16xf32>,
      %get3A_161 = vector.shape_cast %get3A_160 : vector<1x16xf32> to vector<16xf32>
      %add3A_162 = arith.addf %add3A_148, %get3A_161 : vector<16xf32>
      %mul3A_163 = arith.constant 20 : i32
      %mul3A_164 = arith.muli %scan3A_89, %mul3A_163 : i32
      %add3A_165 = arith.constant 5 : i32
      %add3A_166 = arith.addi %mul3A_164, %add3A_165 : i32
      %get3A_167 = arith.index_cast %add3A_166 : i32 to index
      %get3A_168 = arith.constant 0 : index
      %get3A_169 = tpu.vector_load %arg6[%get3A_167, %get3A_168] {strides = array<i32>} : memref<640x128xf32, #tpu.memory_space<vmem>>, vector<1x16xf32>,
      %get3A_170 = vector.shape_cast %get3A_169 : vector<1x16xf32> to vector<16xf32>
      %add3A_171 = arith.addf %add3A_157, %get3A_170 : vector<16xf32>
      %get3A_172 = arith.index_cast %add3A_166 : i32 to index
      %get3A_173 = arith.constant 16 : index
      %get3A_174 = tpu.vector_load %arg6[%get3A_172, %get3A_173] {strides = array<i32>} : memref<640x128xf32, #tpu.memory_space<vmem>>, vector<1x16xf32>,
      %get3A_175 = vector.shape_cast %get3A_174 : vector<1x16xf32> to vector<16xf32>
      %add3A_176 = arith.addf %add3A_162, %get3A_175 : vector<16xf32>
      %mul3A_177 = arith.constant 20 : i32
      %mul3A_178 = arith.muli %scan3A_89, %mul3A_177 : i32
      %add3A_179 = arith.constant 6 : i32
      %add3A_180 = arith.addi %mul3A_178, %add3A_179 : i32
      %get3A_181 = arith.index_cast %add3A_180 : i32 to index
      %get3A_182 = arith.constant 0 : index
      %get3A_183 = tpu.vector_load %arg6[%get3A_181, %get3A_182] {strides = array<i32>} : memref<640x128xf32, #tpu.memory_space<vmem>>, vector<1x16xf32>,
      %get3A_184 = vector.shape_cast %get3A_183 : vector<1x16xf32> to vector<16xf32>
      %add3A_185 = arith.addf %add3A_171, %get3A_184 : vector<16xf32>
      %get3A_186 = arith.index_cast %add3A_180 : i32 to index
      %get3A_187 = arith.constant 16 : index
      %get3A_188 = tpu.vector_load %arg6[%get3A_186, %get3A_187] {strides = array<i32>} : memref<640x128xf32, #tpu.memory_space<vmem>>, vector<1x16xf32>,
      %get3A_189 = vector.shape_cast %get3A_188 : vector<1x16xf32> to vector<16xf32>
      %add3A_190 = arith.addf %add3A_176, %get3A_189 : vector<16xf32>
      %mul3A_191 = arith.constant 20 : i32
      %mul3A_192 = arith.muli %scan3A_89, %mul3A_191 : i32
      %add3A_193 = arith.constant 7 : i32
      %add3A_194 = arith.addi %mul3A_192, %add3A_193 : i32
      %get3A_195 = arith.index_cast %add3A_194 : i32 to index
      %get3A_196 = arith.constant 0 : index
      %get3A_197 = tpu.vector_load %arg6[%get3A_195, %get3A_196] {strides = array<i32>} : memref<640x128xf32, #tpu.memory_space<vmem>>, vector<1x16xf32>,
      %get3A_198 = vector.shape_cast %get3A_197 : vector<1x16xf32> to vector<16xf32>
      %add3A_199 = arith.addf %add3A_185, %get3A_198 : vector<16xf32>
      %get3A_200 = arith.index_cast %add3A_194 : i32 to index
      %get3A_201 = arith.constant 16 : index
      %get3A_202 = tpu.vector_load %arg6[%get3A_200, %get3A_201] {strides = array<i32>} : memref<640x128xf32, #tpu.memory_space<vmem>>, vector<1x16xf32>,
      %get3A_203 = vector.shape_cast %get3A_202 : vector<1x16xf32> to vector<16xf32>
      %add3A_204 = arith.addf %add3A_190, %get3A_203 : vector<16xf32>
      %mul3A_205 = arith.constant 20 : i32
      %mul3A_206 = arith.muli %scan3A_89, %mul3A_205 : i32
      %add3A_207 = arith.constant 8 : i32
      %add3A_208 = arith.addi %mul3A_206, %add3A_207 : i32
      %get3A_209 = arith.index_cast %add3A_208 : i32 to index
      %get3A_210 = arith.constant 0 : index
      %get3A_211 = tpu.vector_load %arg6[%get3A_209, %get3A_210] {strides = array<i32>} : memref<640x128xf32, #tpu.memory_space<vmem>>, vector<1x16xf32>,
      %get3A_212 = vector.shape_cast %get3A_211 : vector<1x16xf32> to vector<16xf32>
      %add3A_213 = arith.addf %add3A_199, %get3A_212 : vector<16xf32>
      %get3A_214 = arith.index_cast %add3A_208 : i32 to index
      %get3A_215 = arith.constant 16 : index
      %get3A_216 = tpu.vector_load %arg6[%get3A_214, %get3A_215] {strides = array<i32>} : memref<640x128xf32, #tpu.memory_space<vmem>>, vector<1x16xf32>,
      %get3A_217 = vector.shape_cast %get3A_216 : vector<1x16xf32> to vector<16xf32>
      %add3A_218 = arith.addf %add3A_204, %get3A_217 : vector<16xf32>
      %mul3A_219 = arith.constant 20 : i32
      %mul3A_220 = arith.muli %scan3A_89, %mul3A_219 : i32
      %add3A_221 = arith.constant 9 : i32
      %add3A_222 = arith.addi %mul3A_220, %add3A_221 : i32
      %get3A_223 = arith.index_cast %add3A_222 : i32 to index
      %get3A_224 = arith.constant 0 : index
      %get3A_225 = tpu.vector_load %arg6[%get3A_223, %get3A_224] {strides = array<i32>} : memref<640x128xf32, #tpu.memory_space<vmem>>, vector<1x16xf32>,
      %get3A_226 = vector.shape_cast %get3A_225 : vector<1x16xf32> to vector<16xf32>
      %add3A_227 = arith.addf %add3A_213, %get3A_226 : vector<16xf32>
      %get3A_228 = arith.index_cast %add3A_222 : i32 to index
      %get3A_229 = arith.constant 16 : index
      %get3A_230 = tpu.vector_load %arg6[%get3A_228, %get3A_229] {strides = array<i32>} : memref<640x128xf32, #tpu.memory_space<vmem>>, vector<1x16xf32>,
      %get3A_231 = vector.shape_cast %get3A_230 : vector<1x16xf32> to vector<16xf32>
      %add3A_232 = arith.addf %add3A_218, %get3A_231 : vector<16xf32>
      %mul3A_233 = arith.constant 20 : i32
      %mul3A_234 = arith.muli %scan3A_89, %mul3A_233 : i32
      %add3A_235 = arith.constant 10 : i32
      %add3A_236 = arith.addi %mul3A_234, %add3A_235 : i32
      %get3A_237 = arith.index_cast %add3A_236 : i32 to index
      %get3A_238 = arith.constant 0 : index
      %get3A_239 = tpu.vector_load %arg6[%get3A_237, %get3A_238] {strides = array<i32>} : memref<640x128xf32, #tpu.memory_space<vmem>>, vector<1x16xf32>,
      %get3A_240 = vector.shape_cast %get3A_239 : vector<1x16xf32> to vector<16xf32>
      %add3A_241 = arith.addf %add3A_227, %get3A_240 : vector<16xf32>
      %get3A_242 = arith.index_cast %add3A_236 : i32 to index
      %get3A_243 = arith.constant 16 : index
      %get3A_244 = tpu.vector_load %arg6[%get3A_242, %get3A_243] {strides = array<i32>} : memref<640x128xf32, #tpu.memory_space<vmem>>, vector<1x16xf32>,
      %get3A_245 = vector.shape_cast %get3A_244 : vector<1x16xf32> to vector<16xf32>
      %add3A_246 = arith.addf %add3A_232, %get3A_245 : vector<16xf32>
      %mul3A_247 = arith.constant 20 : i32
      %mul3A_248 = arith.muli %scan3A_89, %mul3A_247 : i32
      %add3A_249 = arith.constant 11 : i32
      %add3A_250 = arith.addi %mul3A_248, %add3A_249 : i32
      %get3A_251 = arith.index_cast %add3A_250 : i32 to index
      %get3A_252 = arith.constant 0 : index
      %get3A_253 = tpu.vector_load %arg6[%get3A_251, %get3A_252] {strides = array<i32>} : memref<640x128xf32, #tpu.memory_space<vmem>>, vector<1x16xf32>,
      %get3A_254 = vector.shape_cast %get3A_253 : vector<1x16xf32> to vector<16xf32>
      %add3A_255 = arith.addf %add3A_241, %get3A_254 : vector<16xf32>
      %get3A_256 = arith.index_cast %add3A_250 : i32 to index
      %get3A_257 = arith.constant 16 : index
      %get3A_258 = tpu.vector_load %arg6[%get3A_256, %get3A_257] {strides = array<i32>} : memref<640x128xf32, #tpu.memory_space<vmem>>, vector<1x16xf32>,
      %get3A_259 = vector.shape_cast %get3A_258 : vector<1x16xf32> to vector<16xf32>
      %add3A_260 = arith.addf %add3A_246, %get3A_259 : vector<16xf32>
      %mul3A_261 = arith.constant 20 : i32
      %mul3A_262 = arith.muli %scan3A_89, %mul3A_261 : i32
      %add3A_263 = arith.constant 12 : i32
      %add3A_264 = arith.addi %mul3A_262, %add3A_263 : i32
      %get3A_265 = arith.index_cast %add3A_264 : i32 to index
      %get3A_266 = arith.constant 0 : index
      %get3A_267 = tpu.vector_load %arg6[%get3A_265, %get3A_266] {strides = array<i32>} : memref<640x128xf32, #tpu.memory_space<vmem>>, vector<1x16xf32>,
      %get3A_268 = vector.shape_cast %get3A_267 : vector<1x16xf32> to vector<16xf32>
      %add3A_269 = arith.addf %add3A_255, %get3A_268 : vector<16xf32>
      %get3A_270 = arith.index_cast %add3A_264 : i32 to index
      %get3A_271 = arith.constant 16 : index
      %get3A_272 = tpu.vector_load %arg6[%get3A_270, %get3A_271] {strides = array<i32>} : memref<640x128xf32, #tpu.memory_space<vmem>>, vector<1x16xf32>,
      %get3A_273 = vector.shape_cast %get3A_272 : vector<1x16xf32> to vector<16xf32>
      %add3A_274 = arith.addf %add3A_260, %get3A_273 : vector<16xf32>
      %mul3A_275 = arith.constant 20 : i32
      %mul3A_276 = arith.muli %scan3A_89, %mul3A_275 : i32
      %add3A_277 = arith.constant 13 : i32
      %add3A_278 = arith.addi %mul3A_276, %add3A_277 : i32
      %get3A_279 = arith.index_cast %add3A_278 : i32 to index
      %get3A_280 = arith.constant 0 : index
      %get3A_281 = tpu.vector_load %arg6[%get3A_279, %get3A_280] {strides = array<i32>} : memref<640x128xf32, #tpu.memory_space<vmem>>, vector<1x16xf32>,
      %get3A_282 = vector.shape_cast %get3A_281 : vector<1x16xf32> to vector<16xf32>
      %add3A_283 = arith.addf %add3A_269, %get3A_282 : vector<16xf32>
      %get3A_284 = arith.index_cast %add3A_278 : i32 to index
      %get3A_285 = arith.constant 16 : index
      %get3A_286 = tpu.vector_load %arg6[%get3A_284, %get3A_285] {strides = array<i32>} : memref<640x128xf32, #tpu.memory_space<vmem>>, vector<1x16xf32>,
      %get3A_287 = vector.shape_cast %get3A_286 : vector<1x16xf32> to vector<16xf32>
      %add3A_288 = arith.addf %add3A_274, %get3A_287 : vector<16xf32>
      %mul3A_289 = arith.constant 20 : i32
      %mul3A_290 = arith.muli %scan3A_89, %mul3A_289 : i32
      %add3A_291 = arith.constant 14 : i32
      %add3A_292 = arith.addi %mul3A_290, %add3A_291 : i32
      %get3A_293 = arith.index_cast %add3A_292 : i32 to index
      %get3A_294 = arith.constant 0 : index
      %get3A_295 = tpu.vector_load %arg6[%get3A_293, %get3A_294] {strides = array<i32>} : memref<640x128xf32, #tpu.memory_space<vmem>>, vector<1x16xf32>,
      %get3A_296 = vector.shape_cast %get3A_295 : vector<1x16xf32> to vector<16xf32>
      %add3A_297 = arith.addf %add3A_283, %get3A_296 : vector<16xf32>
      %get3A_298 = arith.index_cast %add3A_292 : i32 to index
      %get3A_299 = arith.constant 16 : index
      %get3A_300 = tpu.vector_load %arg6[%get3A_298, %get3A_299] {strides = array<i32>} : memref<640x128xf32, #tpu.memory_space<vmem>>, vector<1x16xf32>,
      %get3A_301 = vector.shape_cast %get3A_300 : vector<1x16xf32> to vector<16xf32>
      %add3A_302 = arith.addf %add3A_288, %get3A_301 : vector<16xf32>
      %mul3A_303 = arith.constant 20 : i32
      %mul3A_304 = arith.muli %scan3A_89, %mul3A_303 : i32
      %add3A_305 = arith.constant 15 : i32
      %add3A_306 = arith.addi %mul3A_304, %add3A_305 : i32
      %get3A_307 = arith.index_cast %add3A_306 : i32 to index
      %get3A_308 = arith.constant 0 : index
      %get3A_309 = tpu.vector_load %arg6[%get3A_307, %get3A_308] {strides = array<i32>} : memref<640x128xf32, #tpu.memory_space<vmem>>, vector<1x16xf32>,
      %get3A_310 = vector.shape_cast %get3A_309 : vector<1x16xf32> to vector<16xf32>
      %add3A_311 = arith.addf %add3A_297, %get3A_310 : vector<16xf32>
      %get3A_312 = arith.index_cast %add3A_306 : i32 to index
      %get3A_313 = arith.constant 16 : index
      %get3A_314 = tpu.vector_load %arg6[%get3A_312, %get3A_313] {strides = array<i32>} : memref<640x128xf32, #tpu.memory_space<vmem>>, vector<1x16xf32>,
      %get3A_315 = vector.shape_cast %get3A_314 : vector<1x16xf32> to vector<16xf32>
      %add3A_316 = arith.addf %add3A_302, %get3A_315 : vector<16xf32>
      %mul3A_317 = arith.constant 20 : i32
      %mul3A_318 = arith.muli %scan3A_89, %mul3A_317 : i32
      %add3A_319 = arith.constant 16 : i32
      %add3A_320 = arith.addi %mul3A_318, %add3A_319 : i32
      %get3A_321 = arith.index_cast %add3A_320 : i32 to index
      %get3A_322 = arith.constant 0 : index
      %get3A_323 = tpu.vector_load %arg6[%get3A_321, %get3A_322] {strides = array<i32>} : memref<640x128xf32, #tpu.memory_space<vmem>>, vector<1x16xf32>,
      %get3A_324 = vector.shape_cast %get3A_323 : vector<1x16xf32> to vector<16xf32>
      %add3A_325 = arith.addf %add3A_311, %get3A_324 : vector<16xf32>
      %get3A_326 = arith.index_cast %add3A_320 : i32 to index
      %get3A_327 = arith.constant 16 : index
      %get3A_328 = tpu.vector_load %arg6[%get3A_326, %get3A_327] {strides = array<i32>} : memref<640x128xf32, #tpu.memory_space<vmem>>, vector<1x16xf32>,
      %get3A_329 = vector.shape_cast %get3A_328 : vector<1x16xf32> to vector<16xf32>
      %add3A_330 = arith.addf %add3A_316, %get3A_329 : vector<16xf32>
      %mul3A_331 = arith.constant 20 : i32
      %mul3A_332 = arith.muli %scan3A_89, %mul3A_331 : i32
      %add3A_333 = arith.constant 17 : i32
      %add3A_334 = arith.addi %mul3A_332, %add3A_333 : i32
      %get3A_335 = arith.index_cast %add3A_334 : i32 to index
      %get3A_336 = arith.constant 0 : index
      %get3A_337 = tpu.vector_load %arg6[%get3A_335, %get3A_336] {strides = array<i32>} : memref<640x128xf32, #tpu.memory_space<vmem>>, vector<1x16xf32>,
      %get3A_338 = vector.shape_cast %get3A_337 : vector<1x16xf32> to vector<16xf32>
      %add3A_339 = arith.addf %add3A_325, %get3A_338 : vector<16xf32>
      %get3A_340 = arith.index_cast %add3A_334 : i32 to index
      %get3A_341 = arith.constant 16 : index
      %get3A_342 = tpu.vector_load %arg6[%get3A_340, %get3A_341] {strides = array<i32>} : memref<640x128xf32, #tpu.memory_space<vmem>>, vector<1x16xf32>,
      %get3A_343 = vector.shape_cast %get3A_342 : vector<1x16xf32> to vector<16xf32>
      %add3A_344 = arith.addf %add3A_330, %get3A_343 : vector<16xf32>
      %mul3A_345 = arith.constant 20 : i32
      %mul3A_346 = arith.muli %scan3A_89, %mul3A_345 : i32
      %add3A_347 = arith.constant 18 : i32
      %add3A_348 = arith.addi %mul3A_346, %add3A_347 : i32
      %get3A_349 = arith.index_cast %add3A_348 : i32 to index
      %get3A_350 = arith.constant 0 : index
      %get3A_351 = tpu.vector_load %arg6[%get3A_349, %get3A_350] {strides = array<i32>} : memref<640x128xf32, #tpu.memory_space<vmem>>, vector<1x16xf32>,
      %get3A_352 = vector.shape_cast %get3A_351 : vector<1x16xf32> to vector<16xf32>
      %add3A_353 = arith.addf %add3A_339, %get3A_352 : vector<16xf32>
      %get3A_354 = arith.index_cast %add3A_348 : i32 to index
      %get3A_355 = arith.constant 16 : index
      %get3A_356 = tpu.vector_load %arg6[%get3A_354, %get3A_355] {strides = array<i32>} : memref<640x128xf32, #tpu.memory_space<vmem>>, vector<1x16xf32>,
      %get3A_357 = vector.shape_cast %get3A_356 : vector<1x16xf32> to vector<16xf32>
      %add3A_358 = arith.addf %add3A_344, %get3A_357 : vector<16xf32>
      %mul3A_359 = arith.constant 20 : i32
      %mul3A_360 = arith.muli %scan3A_89, %mul3A_359 : i32
      %add3A_361 = arith.constant 19 : i32
      %add3A_362 = arith.addi %mul3A_360, %add3A_361 : i32
      %get3A_363 = arith.index_cast %add3A_362 : i32 to index
      %get3A_364 = arith.constant 0 : index
      %get3A_365 = tpu.vector_load %arg6[%get3A_363, %get3A_364] {strides = array<i32>} : memref<640x128xf32, #tpu.memory_space<vmem>>, vector<1x16xf32>,
      %get3A_366 = vector.shape_cast %get3A_365 : vector<1x16xf32> to vector<16xf32>
      %add3A_367 = arith.addf %add3A_353, %get3A_366 : vector<16xf32>
      %get3A_368 = arith.index_cast %add3A_362 : i32 to index
      %get3A_369 = arith.constant 16 : index
      %get3A_370 = tpu.vector_load %arg6[%get3A_368, %get3A_369] {strides = array<i32>} : memref<640x128xf32, #tpu.memory_space<vmem>>, vector<1x16xf32>,
      %get3A_371 = vector.shape_cast %get3A_370 : vector<1x16xf32> to vector<16xf32>
      %add3A_372 = arith.addf %add3A_358, %get3A_371 : vector<16xf32>
      %mul3A_373 = arith.constant 5.000000e-02 : f32
      %mul3A_374 = vector.broadcast %mul3A_373 : f32 to vector<16xf32>
      %mul3A_375 = arith.mulf %add3A_367, %mul3A_374 : vector<16xf32>
      %swap3A = arith.index_cast %scan3A_89 : i32 to index
      %swap3A_376 = arith.constant 0 : index
      %swap3A_377 = tpu.vector_load %arg7[%swap3A, %swap3A_376] {strides = array<i32>} : memref<32x32xf32, #tpu.memory_space<vmem>>, vector<1x16xf32>,
      %swap3A_378 = vector.shape_cast %swap3A_377 : vector<1x16xf32> to vector<16xf32>
      %swap3A_379 = vector.shape_cast %mul3A_375 : vector<16xf32> to vector<1x16xf32>
      tpu.vector_store %arg7[%swap3A, %swap3A_376], %swap3A_379 {strides = array<i32>} : memref<32x32xf32, #tpu.memory_space<vmem>>, vector<1x16xf32>,
      %mul3A_380 = arith.constant 5.000000e-02 : f32
      %mul3A_381 = vector.broadcast %mul3A_380 : f32 to vector<16xf32>
      %mul3A_382 = arith.mulf %add3A_372, %mul3A_381 : vector<16xf32>
      %swap3A_383 = arith.index_cast %scan3A_89 : i32 to index
      %swap3A_384 = arith.constant 16 : index
      %swap3A_385 = tpu.vector_load %arg7[%swap3A_383, %swap3A_384] {strides = array<i32>} : memref<32x32xf32, #tpu.memory_space<vmem>>, vector<1x16xf32>,
      %swap3A_386 = vector.shape_cast %swap3A_385 : vector<1x16xf32> to vector<16xf32>
      %swap3A_387 = vector.shape_cast %mul3A_382 : vector<16xf32> to vector<1x16xf32>
      tpu.vector_store %arg7[%swap3A_383, %swap3A_384], %swap3A_387 {strides = array<i32>} : memref<32x32xf32, #tpu.memory_space<vmem>>, vector<1x16xf32>,
      %scan3A_388 = arith.constant 0 : i32
      scf.yield %scan3A_388 : i32
    }
    %scan3A_86 = arith.constant 32 : i32
    %mul3A_87 = arith.constant 32 : i32
    %mul3A_88 = arith.muli %add3A, %mul3A_87 : i32
    "tpu.region"() ({
      %run_scoped3A = tpu.sem_alloc : memref<!tpu.dma_semaphore, #tpu.memory_space<semaphore_mem>>
      %dma_start3A_89 = arith.constant 0 : i32
      %dma_start3A_90 = tpu.memref_slice %arg4[%mul3A_88, %dma_start3A_89] : memref<1024x32xf32, #tpu.memory_space<hbm>> -> memref<32x32xf32, #tpu.memory_space<hbm>>
      %dma_start3A_91 = arith.constant 0 : i32
      %dma_start3A_92 = tpu.memref_slice %arg4[%mul3A_88, %dma_start3A_91] : memref<1024x32xf32, #tpu.memory_space<hbm>> -> memref<32x32xf32, #tpu.memory_space<hbm>>
      tpu.enqueue_dma source(%arg7 : memref<32x32xf32, #tpu.memory_space<vmem>>) target(%dma_start3A_92 : memref<32x32xf32, #tpu.memory_space<hbm>>) target_semaphore(%run_scoped3A : memref<!tpu.dma_semaphore, #tpu.memory_space<semaphore_mem>>)
      %dma_wait3A_93 = arith.constant 0 : i32
      %dma_wait3A_94 = tpu.memref_slice %arg4[%mul3A_88, %dma_wait3A_93] : memref<1024x32xf32, #tpu.memory_space<hbm>> -> memref<32x32xf32, #tpu.memory_space<hbm>>
      %dma_wait3A_95 = arith.constant 0 : i32
      %dma_wait3A_96 = tpu.memref_slice %arg4[%mul3A_88, %dma_wait3A_95] : memref<1024x32xf32, #tpu.memory_space<hbm>> -> memref<32x32xf32, #tpu.memory_space<hbm>>
      tpu.wait_dma2 semaphore(%run_scoped3A : memref<!tpu.dma_semaphore, #tpu.memory_space<semaphore_mem>>) src(%arg7 : memref<32x32xf32, #tpu.memory_space<vmem>>) dst(%dma_wait3A_96 : memref<32x32xf32, #tpu.memory_space<hbm>>)
      tpu.yield
    }) : () -> ()
    return
  }
}

module attributes {stable_mosaic.version = 14 : i64} {
  func.func @_mm_body(%arg0: i32, %arg1: memref<32x1024xf32, #tpu.memory_space<vmem>>, %arg2: memref<32x2048xf32, #tpu.memory_space<vmem>>, %arg3: memref<1x2048xf32, #tpu.memory_space<vmem>>, %arg4: memref<2048x1024xf32, #tpu.memory_space<vmem>>) attributes {dimension_semantics = [#tpu.dimension_semantics<arbitrary>], iteration_bounds = array<i64: 49>, scalar_prefetch = 0 : i64, scratch_operands = 0 : i64, tpu.core_type = #tpu.core_type<tc>, window_params = [{pipeline_mode = #tpu.pipeline_mode<synchronous>, transform_indices = @transform_0, window_bounds = array<i64: 32, 1024>}, {transform_indices = @transform_1, window_bounds = array<i64: 32, 2048>}, {transform_indices = @transform_2, window_bounds = array<i64: 1, 2048>}, {transform_indices = @transform_3, window_bounds = array<i64: 2048, 1024>}]} {
    %get3A = arith.constant 0 : index
    %get3A_0 = arith.constant 0 : index
    %get3A_1 = vector.load %arg2[%get3A, %get3A_0] : memref<32x2048xf32, #tpu.memory_space<vmem>>, vector<32x2048xf32>
    %get3A_2 = arith.constant 0 : index
    %get3A_3 = arith.constant 0 : index
    %get3A_4 = vector.load %arg1[%get3A_2, %get3A_3] : memref<32x1024xf32, #tpu.memory_space<vmem>>, vector<32x1024xf32>
    %dot_general3A = arith.constant dense<0.000000e+00> : vector<2048x1024xf32>
    %dot_general3A_5 = tpu.matmul %get3A_1, %get3A_4, %dot_general3A {dimension_numbers = #tpu.dot_dimension_numbers<[0], [0], [1], [1], [0, 1, 1, 1], [], []>, transpose_lhs_hint = false} : vector<32x2048xf32>, vector<32x1024xf32>, vector<2048x1024xf32> -> vector<2048x1024xf32>
    %get3A_6 = arith.constant 0 : index
    %get3A_7 = arith.constant 0 : index
    %get3A_8 = vector.load %arg3[%get3A_6, %get3A_7] : memref<1x2048xf32, #tpu.memory_space<vmem>>, vector<1x2048xf32>
    %transpose3A = tpu.transpose %get3A_8, [1, 0] : vector<1x2048xf32> -> vector<2048x1xf32>
    %add3A = vector.broadcast %transpose3A : vector<2048x1xf32> to vector<2048x1024xf32>
    %add3A_9 = arith.addf %dot_general3A_5, %add3A : vector<2048x1024xf32>
    %swap3A = arith.constant 0 : index
    %swap3A_10 = arith.constant 0 : index
    %swap3A_11 = vector.load %arg4[%swap3A, %swap3A_10] : memref<2048x1024xf32, #tpu.memory_space<vmem>>, vector<2048x1024xf32>
    tpu.vector_store %arg4[%swap3A, %swap3A_10], %add3A_9 {strides = array<i32>} : memref<2048x1024xf32, #tpu.memory_space<vmem>>, vector<2048x1024xf32>,
    return
  }
  func.func @transform_0(%arg0: i32) -> (i32, i32) {
    %c0_i32 = arith.constant 0 : i32
    %c0_i32_0 = arith.constant 0 : i32
    %c0_i32_1 = arith.constant 0 : i32
    return %c0_i32, %c0_i32_0 : i32, i32
  }
  func.func @transform_1(%arg0: i32) -> (i32, i32) {
    %c0_i32 = arith.constant 0 : i32
    %c0_i32_0 = arith.constant 0 : i32
    return %c0_i32, %arg0 : i32, i32
  }
  func.func @transform_2(%arg0: i32) -> (i32, i32) {
    %c0_i32 = arith.constant 0 : i32
    %c0_i32_0 = arith.constant 0 : i32
    return %c0_i32, %arg0 : i32, i32
  }
  func.func @transform_3(%arg0: i32) -> (i32, i32) {
    %c0_i32 = arith.constant 0 : i32
    %c0_i32_0 = arith.constant 0 : i32
    return %arg0, %c0_i32 : i32, i32
  }
}

</mosaic_0001>

<sc_bundles>
// kernel: kernel.4.cloned.1.call-start
scs
__scs_entry_jumppad:
0x0: {  	(pc) =	sbr.rel $0x88, $3  }
0x1: {  	(tag) =	ssettag $0x0;
	lr =	simm.s32 $0x1  }
0x2: {  	[smem:$0x3F9D] =	sst lr;
	_ =	strace $0xD0000000  }
0x3: {  	_ = 	snop  }
0x4: {  	_ = 	snop  }
0x5: {  	_ = 	snop  }
0x6: {  	_ = 	snop  }
0x7: {  	_ = 	snop  }
__scs_overlays_trampoline_lowered:
0x8: {  	[smem:$0x3FAC] =	sst s0  }
0x9: {  	[smem:$0x3FAD] =	sst s1  }
0xa: {  	[smem:$0x3FAE] =	sst s2  }
0xb: {  	[smem:$0x3FAF] =	sst s3  }
0xc: {  	[smem:$0x3FB0] =	sst s4  }
0xd: {  	[smem:$0x3FB1] =	sst s5  }
0xe: {  	[smem:$0x3FB2] =	sst s6  }
0xf: {  	[smem:$0x3FB3] =	sst s7  }
0x10: {  	[smem:$0x3FB4] =	sst s8  }
0x11: {  	[smem:$0x3FB5] =	sst s9;
	s0 =	simm.s32 @!p0 $0x0  }
0x12: {  	s1 =	sld [smem:$0x3F9B];
	s0 =	simm.s32 @p0 $0x1  }
0x13: {  	[smem:$0x3FB6] =	sst s0;
	s0 =	simm.s32 @!p1 $0x0  }
0x14: {  	s2 =	sld [smem:$0x3F9A];
	s0 =	simm.s32 @p1 $0x1  }
0x15: {  	[smem:$0x3FB7] =	sst s0;
	s0 =	simm.s32 @!p2 $0x0  }
0x16: {  	s3 =	sld [smem:$0x3FDB];
	s0 =	simm.s32 @p2 $0x1  }
0x17: {  	s4 =	simm.s32 $0x1BF5;
	[smem:$0x3FB9] =	sst s0  }
0x18: {  	s0 =	sld [smem:$0x3F9C];
	_ =	swait.ge [sflag:s4], $0x0  }
0x19: {  	s7 =	sld [smem:$0x3F9D]  }
0x1a: {  	s8 =	sadd.s32 $0xFFFFE003, lr  }
0x1b: {  	s9 =	sadd.s32 $0xFFFFFEF7, lr;
	s5 =	simm.s32 $0xFFFFFFFF;
	p2 =	slt.u32 s8, $0xFFFFF086  }
0x1c: {  	p1 =	slt.u32 s9, $0xF7A;
	s5 =	simm.s32 @!p2 $0x0  }
0x1d: {  	s5 =	simm.s32 @p1 $0x1;
	p0 =	seq.s32 s7, s2  }
0x1e: {  	s7 =	smul.u32 @!p0 $0xF7A, s2;
	p2 =	seq.s32 @!p0 s5, $0x0  }
0x1f: {  	s9 =	smul.u32 $0xF7A, s1;
	s8 =	simm.s32 @!p0 $0x1BF5;
	p2 =	por !p2, p0  }
0x20: {  	[sflag:s8] =	ssyncset.s32 @!p0 $0xFFFFF086;
	s6 =	sadd.s32 @!p0 s3, s7;
	s7 =	simm.s32 @!p0 $0x108  }
0x21: {  	s3 =	sadd.s32 s3, s9;
	s6 =	sadd.s32 @!p0 $0x88, s6;
	s7 =	simm.s32 @p2 $0x1082  }
0x22: {  	[simem:s7], [sflag:s8] =	dma.local @!p0 [hbm:s6], $0xF7A  }
0x23: {  	s9 =	sor.u32 $0xD0000000, s2;
	s6 =	simm.s32 $0x108;
	_ =	swait.ge @!p0 [sflag:s8], $0x0  }
0x24: {  	s3 =	sadd.s32 $0x88, s3;
	s6 =	simm.s32 @!p1 $0x1082;
	[sflag:s4] =	ssyncset.s32 $0xFFFFF086  }
0x25: {  	[simem:s6], [sflag:s4] =	dma.local [hbm:s3], $0xF7A  }
0x26: {  	[smem:$0x3F9D] =	sst s1;
	(tag) =	ssettag s2;
	_ =	strace s9  }
0x27: {  	s1 =	sld [smem:$0x3FAD]  }
0x28: {  	s2 =	sld [smem:$0x3FAE]  }
0x29: {  	s4 =	sld [smem:$0x3FB0]  }
0x2a: {  	p0 =	seq.s32 s5, $0x0;
	s5 =	sld [smem:$0x3FB1]  }
0x2b: {  	s6 =	sld [smem:$0x3FB2]  }
0x2c: {  	s7 =	sld [smem:$0x3FB3]  }
0x2d: {  	s3 =	simm.s32 $0x108;
	s8 =	sld [smem:$0x3FB4]  }
0x2e: {  	s3 =	simm.s32 @!p0 $0x1082;
	s9 =	sld [smem:$0x3FB5]  }
0x2f: {  	lr =	sadd.s32 s0, s3;
	s0 =	sld [smem:$0x3FAC]  }
0x30: {  	s3 =	sld [smem:$0x3FAF]  }
0x31: {  	[smem:$0x3FB8] =	sst s10  }
0x32: {  	s10 =	sld [smem:$0x3FB6];
	_ =	sdelay $0x3  }
0x33: {  	p0 =	seq.s32 s10, $0x1;
	s10 =	sld [smem:$0x3FB8];
	_ =	sdelay $0x3  }
0x34: {  	[smem:$0x3FB8] =	sst s10  }
0x35: {  	s10 =	sld [smem:$0x3FB7];
	_ =	sdelay $0x3  }
0x36: {  	p1 =	seq.s32 s10, $0x1;
	s10 =	sld [smem:$0x3FB8];
	_ =	sdelay $0x3  }
0x37: {  	[smem:$0x3FB8] =	sst s10  }
0x38: {  	s10 =	sld [smem:$0x3FB9]  }
0x39: {  	_ = 	snop;
	(pc) =	sbr.ind lr, $3  }
0x3a: {  	_ = 	snop  }
0x3b: {  	_ = 	snop  }
0x3c: {  	p2 =	seq.s32 s10, $0x1;
	s10 =	sld [smem:$0x3FB8]  }
0x3d: {  	_ =	shalt  }
0x3e: {  	_ =	shalt  }
0x3f: {  	_ =	shalt  }
0x40: {  	_ =	shalt  }
0x41: {  	_ =	shalt  }
0x42: {  	_ =	shalt  }
0x43: {  	_ =	shalt  }
0x44: {  	_ =	shalt  }
0x45: {  	_ =	shalt  }
0x46: {  	_ =	shalt  }
0x47: {  	_ =	shalt  }
0x48: {  	_ =	shalt  }
0x49: {  	_ =	shalt  }
0x4a: {  	_ =	shalt  }
0x4b: {  	_ =	shalt  }
0x4c: {  	_ =	shalt  }
0x4d: {  	_ =	shalt  }
0x4e: {  	_ =	shalt  }
0x4f: {  	_ =	shalt  }
0x50: {  	_ =	shalt  }
0x51: {  	_ =	shalt  }
0x52: {  	_ =	shalt  }
0x53: {  	_ =	shalt  }
0x54: {  	_ =	shalt  }
0x55: {  	_ =	shalt  }
0x56: {  	_ =	shalt  }
0x57: {  	_ =	shalt  }
0x58: {  	_ =	shalt  }
0x59: {  	_ =	shalt  }
0x5a: {  	_ =	shalt  }
0x5b: {  	_ =	shalt  }
0x5c: {  	_ =	shalt  }
0x5d: {  	_ =	shalt  }
0x5e: {  	_ =	shalt  }
0x5f: {  	_ =	shalt  }
0x60: {  	_ =	shalt  }
0x61: {  	_ =	shalt  }
0x62: {  	_ =	shalt  }
0x63: {  	_ =	shalt  }
0x64: {  	_ =	shalt  }
0x65: {  	_ =	shalt  }
0x66: {  	_ =	shalt  }
0x67: {  	_ =	shalt  }
0x68: {  	_ =	shalt  }
0x69: {  	_ =	shalt  }
0x6a: {  	_ =	shalt  }
0x6b: {  	_ =	shalt  }
0x6c: {  	_ =	shalt  }
0x6d: {  	_ =	shalt  }
0x6e: {  	_ =	shalt  }
0x6f: {  	_ =	shalt  }
0x70: {  	_ =	shalt  }
0x71: {  	_ =	shalt  }
0x72: {  	_ =	shalt  }
0x73: {  	_ =	shalt  }
0x74: {  	_ =	shalt  }
0x75: {  	_ =	shalt  }
0x76: {  	_ =	shalt  }
0x77: {  	_ =	shalt  }
0x78: {  	_ =	shalt  }
0x79: {  	_ =	shalt  }
0x7a: {  	_ =	shalt  }
0x7b: {  	_ =	shalt  }
0x7c: {  	_ =	shalt  }
0x7d: {  	_ =	shalt  }
0x7e: {  	_ =	shalt  }
0x7f: {  	_ =	shalt  }
0x80: {  	_ =	shalt  }
0x81: {  	_ =	shalt  }
0x82: {  	_ =	shalt  }
0x83: {  	_ =	shalt  }
0x84: {  	_ =	shalt  }
0x85: {  	_ =	shalt  }
0x86: {  	_ =	shalt  }
0x87: {  	_ =	shalt  }
.Lfunc_end0:
.L_simem_size_0:
called_computation_lowered:
.L_overlay_start_0:
0x88: {  	s2 =	sld [smem:$0x3FD9]  }
0x89: {  	s3 =	sld [smem:$0x3FFE];
	_ =	sdelay $0x1  }
0x8a: {  	s1 =	srdreg.scid  }
0x8b: {  	s0 =	sand.u32 $0x1, s1  }
0x8c: {  	s17 =	sshll.u32 s0, $0xA;
	s2 =	sadd.s32 s3, s2  }
0x8d: {  	s2 =	sadd.s32 s2, s17  }
0x8e: {  	[smem:$0x3FC4] =	sst s2  }
0x8f: {  	_ = 	snop  }
0x90: {  	s2 =	sld [smem:$0x3FD0];
	(tm) =	ssettm $0x1  }
0x91: {  	s18 =	sld [smem:$0x3FFB];
	_ =	sdelay $0x3  }
0x92: {  	_ =	strace s18  }
0x93: {  	s3 =	sld [smem:$0x3FFC];
	_ =	sdelay $0x3  }
0x94: {  	_ =	strace s3  }
0x95: {  	s3 =	sld [smem:$0x3FFD];
	_ =	sdelay $0x3  }
0x96: {  	_ =	strace s3  }
0x97: {  	_ =	strace $0x8FFFFFFF  }
0x98: {  	s19 =	sld [smem:$0x3FDB];
	_ =	sdelay $0x1  }
0x99: {  	s4 =	simm.s32 $_scs_section_size  }
0x9a: {  	s5 =	simm.s32 $_size__tile_overlayer_lowered;
	s6 =	simm.s32 $_tile_overlayer_lowered  }
0x9b: {  	s22 =	simm.s32 $0x1BFF;
	s21 =	sshll.u32 s6, $0x1;
	s3 =	sadd.s32 s4, s19  }
0x9c: {  	s7 =	simm.s32 $0x0;
	s20 =	sshll.u32 s5, $0x1;
	s5 =	sadd.s32 s21, s3  }
0x9d: {  	[timem:s7], [sflag:s22] =	dma.local [hbm:s5], s20  }
0x9e: {  	_ =	swait.ge [sflag:s22], s20  }
0x9f: {  	s4 =	ssub.s32 $0x0, s20;
	[sflag:s22] =	ssyncset.done $0x0  }
0xa0: {  	[sflag:s22] =	ssyncadd.s32 s4;
	_ =	sdelay $0x1  }
0xa1: {  	s23 =	simm.s32 $0x1B8B  }
0xa2: {  	_ =	swait.ge [sflag:s23], $0x1  }
0xa3: {  	[sflag:s23] =	ssyncset.done $0x0  }
0xa4: {  	s25 =	simm.s32 $0x1B8E;
	s24 =	sld [smem:$0x3FFE];
	[sflag:s23] =	ssyncadd.s32 $0xFFFFFFFF  }
0xa5: {  	s26 =	simm.s32 $execute0_lowered;
	[smem:$0x3FD2] =	sst s25  }
0xa6: {  	s5 =	sshll.u32 s26, $0x1;
	_ =	strace $0x80000046;
	[dreg:$0x1] =	wrdreg $0xFFFFFFFF  }
0xa7: {  	s28 =	simm.s32 $_size_execute0_lowered;
	s3 =	sadd.s32 s3, s5;
	[dreg:$0x0] =	wrdreg $0x0  }
0xa8: {  	s5 =	sshll.u32 s28, $0x1;
	[dreg:$0x2] =	wrdreg s3  }
0xa9: {  	[dreg:$0x3] =	wrdreg s5  }
0xaa: {  	[dreg:$0x4] =	wrdreg $0xC0  }
0xab: {  	_ =	task [dreg:s7], $0x5FFFF  }
0xac: {  	[dreg:$0x1] =	wrdreg $0xFFFFFFFF  }
0xad: {  	[dreg:$0x0] =	wrdreg $0x60  }
0xae: {  	[dreg:$0x2] =	wrdreg s24  }
0xaf: {  	[dreg:$0x3] =	wrdreg s2  }
0xb0: {  	[dreg:$0x4] =	wrdreg $0x9  }
0xb1: {  	_ =	task.clear_ibuf [dreg:s7], $0x5FFFF;
	_ =	strace $0x90000046  }
0xb2: {  	s29 =	simm.s32 $0x9;
	_ =	strace $0x80000048  }
0xb3: {  	_ =	swait.ge [sflag:s29], $0x1  }
0xb4: {  	[sflag:s29] =	ssyncadd.s32 $0xFFFFFFFF  }
0xb5: {  	_ =	strace $0x90000048  }
0xb6: {  	_ =	sfence  }
0xb7: {  	s30 =	sld [smem:$0x0];
	_ =	sdelay $0x2  }
0xb8: {  	s31 =	sshll.u32 s1, $0xD;
	s1 =	sshrl.u32 s1, $0x2  }
0xb9: {  	s3 =	sand.u32 $0x4000, s31;
	s1 =	sadd.s32 s1, s30  }
0xba: {  	s0 =	sor.u32 s3, s0;
	s1 =	sshll.u32 s1, $0x11  }
0xbb: {  	s0 =	sor.u32 s1, s0  }
0xbc: {  	s0 =	sadd.s32 $0x8F2B, s0  }
0xbd: {  	[sflag:s0] =	ssyncadd.remote.s32 $0x1  }
0xbe: {  	_ =	sfence.sel $0xFFFF  }
0xbf: {  	[dreg:$0x0] =	wrdreg $0xFFFFFFFF;
	(pc) =	sbr.abs _section_cstart, $3  }
0xc0: {  	[dreg:$0x1] =	wrdreg $0xFFFFFFFF  }
0xc1: {  	_ =	task.clear_ibuf [dreg:s7], $0x2FFFF;
	_ =	strace $0x9FFFFFFF  }
0xc2: {  	(tm) =	ssettm $0x7FFFFFFF  }
0xc3: {  	_ =	shalt  }
tec
execute0_lowered:
.L_overlay_start_1:
0x0: {  	(tag) =	ssettag $0x1  }
0x1: {  	s3 =	rddreg [dreg:$0x0];
	s1 =	srdreg.scid  }
0x2: {  	s0 =	stileid.u32;
	s5 =	rddreg [dreg:$0x1]  }
0x3: {  	s2 =	simm.s32 $0x0;
	s9 =	simm.s32 $0x280;
	s10 =	simm.s32 $0x4280  }
0x4: {  	s11 =	simm.s32 $0x100;
	s12 =	simm.s32 $0x8280;
	s13 =	simm.s32 $0x180  }
0x5: {  	s14 =	simm.s32 $0xC280;
	s15 =	simm.s32 $0x200;
	s16 =	simm.s32 $0x10280  }
0x6: {  	s17 =	simm.s32 $0x1;
	s18 =	simm.s32 $0x14280;
	s19 =	simm.s32 $0x0  }
0x7: {  	s4 =	sand.u32 $0x1, s1;
	s6 =	sshll.u32 s0, $0x1;
	s1 =	rddreg [dreg:$0x2]  }
0x8: {  	[smem:$0x7FF] =	sst s2;
	s6 =	sor.u32 s4, s6;
	s4 =	ssub.s32 $0x2, s4  }
0x9: {  	s7 =	smul.u32 $0x50, s6;
	s8 =	sshrl.u32 s4, $0x1;
	s6 =	sshll.u32 s6, $0x9  }
0xa: {  	_ =	strace $0x80000047;
	s8 =	ssub.s32 s4, s8;
	s5 =	sadd.s32 s5, s6  }
0xb: {  	s7 =	sadd.s32 s7, s3;
	s3 =	sadd.s32 $0x2000, s3;
	s6 =	smax.u32 s8, $0x1  }
0xc: {  	s8 =	simm.s32 $0x80;
	s4 =	sadd.s32 $0x1600, s7;
	s7 =	simm.s32 $0x2  }
.LBB2_1:
0xd: {  	[tilespmem:s2], [sflag:$0x2] =	stream.linear.gather [hbm4b:s4+s2], $0x280, $0x38;
	[tilespmem:$0x15280] =	vst v63  }
0xe: {  	_ =	swait.ge [sflag:s7], $0x280  }
0xf: {  	[sflag:s7] =	ssyncset.done $0x0  }
0x10: {  	[sflag:s7] =	ssyncadd.s32 $0xFFFFFD80  }
0x11: {  	[tilespmem:s9], [sflag:$0x1] =	stream.indirect.gather [hbm4b:s3+s8], $0x80, s2, s8, $0xb8;
	[tilespmem:$0x15280] =	vst v63  }
0x12: {  	_ = 	snop  }
0x13: {  	[tilespmem:s10], [sflag:$0x1] =	stream.indirect.gather [hbm4b:s3+s8], $0x80, s8, s8, $0xb8;
	[tilespmem:$0x15280] =	vst v63  }
0x14: {  	_ = 	snop  }
0x15: {  	[tilespmem:s12], [sflag:$0x1] =	stream.indirect.gather [hbm4b:s3+s8], $0x80, s11, s8, $0xb8;
	[tilespmem:$0x15280] =	vst v63  }
0x16: {  	_ = 	snop  }
0x17: {  	[tilespmem:s14], [sflag:$0x1] =	stream.indirect.gather [hbm4b:s3+s8], $0x80, s13, s8, $0xb8;
	[tilespmem:$0x15280] =	vst v63  }
0x18: {  	_ = 	snop  }
0x19: {  	[tilespmem:s16], [sflag:$0x1] =	stream.indirect.gather [hbm4b:s3+s8], $0x80, s15, s8, $0xb8;
	[tilespmem:$0x15280] =	vst v63  }
0x1a: {  	_ =	swait.ge [sflag:s17], $0x4000  }
0x1b: {  	[sflag:s17] =	ssyncset.done $0x0  }
0x1c: {  	[sflag:s17] =	ssyncadd.s32 $0xFFFFC000  }
0x1d: {  	_ =	swait.ge [sflag:s17], $0x4000  }
0x1e: {  	[sflag:s17] =	ssyncset.done $0x0  }
0x1f: {  	[sflag:s17] =	ssyncadd.s32 $0xFFFFC000  }
0x20: {  	_ =	swait.ge [sflag:s17], $0x4000  }
0x21: {  	[sflag:s17] =	ssyncset.done $0x0  }
0x22: {  	[sflag:s17] =	ssyncadd.s32 $0xFFFFC000  }
0x23: {  	_ =	swait.ge [sflag:s17], $0x4000  }
0x24: {  	[sflag:s17] =	ssyncset.done $0x0  }
0x25: {  	[sflag:s17] =	ssyncadd.s32 $0xFFFFC000  }
0x26: {  	_ =	swait.ge [sflag:s17], $0x4000  }
0x27: {  	[sflag:s17] =	ssyncset.done $0x0  }
0x28: {  	s20 =	simm.s32 $0x780;
	[sflag:s17] =	ssyncadd.s32 $0xFFFFC000  }
0x29: {  	v0 =	vld [tilespmem:s20+$0xFFFFFB00]  }
0x2a: {  	v1 =	vld [tilespmem:s20+$0xFFFFFB10]  }
0x2b: {  	v2 =	vld [tilespmem:s20+$0xFFFFFB80]  }
0x2c: {  	v3 =	vld [tilespmem:s20+$0xFFFFFB90]  }
0x2d: {  	v4 =	vld [tilespmem:s20+$0xFFFFFC00]  }
0x2e: {  	v5 =	vld [tilespmem:s20+$0xFFFFFC10];
	v0 =	vadd.f32 $0.0e+00, v0  }
0x2f: {  	v6 =	vld [tilespmem:s20+$0xFFFFFC80]  }
0x30: {  	v7 =	vld [tilespmem:s20+$0xFFFFFD00];
	v1 =	vadd.f32 $0.0e+00, v1;
	v0 =	vadd.f32 v2, v0  }
0x31: {  	v2 =	vld [tilespmem:s20+$0xFFFFFC90]  }
0x32: {  	v44 =	vld [tilespmem:s20+$0xFFFFFD80];
	v1 =	vadd.f32 v3, v1;
	v0 =	vadd.f32 v4, v0  }
0x33: {  	v3 =	vld [tilespmem:s20+$0xFFFFFD10]  }
0x34: {  	v45 =	vld [tilespmem:s20+$0xFFFFFD90];
	v1 =	vadd.f32 v5, v1;
	v0 =	vadd.f32 v6, v0  }
0x35: {  	v46 =	vld [tilespmem:s20+$0xFFFFFE00]  }
0x36: {  	v47 =	vld [tilespmem:s20+$0xFFFFFE80];
	v1 =	vadd.f32 v2, v1;
	v0 =	vadd.f32 v7, v0  }
0x37: {  	v2 =	vld [tilespmem:s20+$0xFFFFFE10]  }
0x38: {  	v48 =	vld [tilespmem:s20+$0xFFFFFF00];
	v1 =	vadd.f32 v3, v1;
	v0 =	vadd.f32 v44, v0  }
0x39: {  	v3 =	vld [tilespmem:s20+$0xFFFFFE90]  }
0x3a: {  	v49 =	vld [tilespmem:s20+$0xFFFFFF10];
	v1 =	vadd.f32 v45, v1;
	v0 =	vadd.f32 v46, v0  }
0x3b: {  	v50 =	vld [tilespmem:s20+$0xFFFFFF80]  }
0x3c: {  	v51 =	vld [tilespmem:s20+$0x0];
	v1 =	vadd.f32 v2, v1;
	v0 =	vadd.f32 v47, v0  }
0x3d: {  	v2 =	vld [tilespmem:s20+$0xFFFFFF90]  }
0x3e: {  	v52 =	vld [tilespmem:s20+$0x80];
	v1 =	vadd.f32 v3, v1;
	v0 =	vadd.f32 v48, v0  }
0x3f: {  	v3 =	vld [tilespmem:s20+$0x10]  }
0x40: {  	v53 =	vld [tilespmem:s20+$0x90];
	v1 =	vadd.f32 v49, v1;
	v0 =	vadd.f32 v50, v0  }
0x41: {  	v54 =	vld [tilespmem:s20+$0x100]  }
0x42: {  	v55 =	vld [tilespmem:s20+$0x180];
	v1 =	vadd.f32 v2, v1;
	v0 =	vadd.f32 v51, v0  }
0x43: {  	v2 =	vld [tilespmem:s20+$0x110]  }
0x44: {  	v56 =	vld [tilespmem:s20+$0x200];
	v1 =	vadd.f32 v3, v1;
	v0 =	vadd.f32 v52, v0  }
0x45: {  	v3 =	vld [tilespmem:s20+$0x190]  }
0x46: {  	v57 =	vld [tilespmem:s20+$0x210];
	v1 =	vadd.f32 v53, v1;
	v0 =	vadd.f32 v54, v0  }
0x47: {  	v58 =	vld [tilespmem:s20+$0x280]  }
0x48: {  	v59 =	vld [tilespmem:s20+$0x300];
	v1 =	vadd.f32 v2, v1;
	v0 =	vadd.f32 v55, v0  }
0x49: {  	v2 =	vld [tilespmem:s20+$0x290]  }
0x4a: {  	v60 =	vld [tilespmem:s20+$0x380];
	v1 =	vadd.f32 v3, v1;
	v0 =	vadd.f32 v56, v0  }
0x4b: {  	v3 =	vld [tilespmem:s20+$0x310]  }
0x4c: {  	v61 =	vld [tilespmem:s20+$0x390];
	v1 =	vadd.f32 v57, v1;
	v0 =	vadd.f32 v58, v0  }
0x4d: {  	v62 =	vld [tilespmem:s20+$0x400]  }
0x4e: {  	v63 =	vld [tilespmem:s20+$0x480];
	v1 =	vadd.f32 v2, v1;
	v0 =	vadd.f32 v59, v0  }
0x4f: {  	v2 =	vld [tilespmem:s20+$0x410]  }
0x50: {  	v1 =	vadd.f32 v3, v1;
	v0 =	vadd.f32 v60, v0  }
0x51: {  	v3 =	vld [tilespmem:s20+$0x490]  }
0x52: {  	v1 =	vadd.f32 v61, v1;
	v0 =	vadd.f32 v62, v0;
	_ =	sdelay $0x1  }
0x53: {  	v1 =	vadd.f32 v2, v1;
	v0 =	vadd.f32 v63, v0;
	_ =	sdelay $0x1  }
0x54: {  	v1 =	vadd.f32 v3, v1;
	v2 =	vmul.f32 $5.000000070e-02, v0  }
0x55: {  	s22 =	simm.s32 $0x0  }
0x56: {  	s21 =	simm.s32 $0x200;
	v0 =	vmul.f32 $5.000000070e-02, v1;
	[tilespmem:s22+$0x14280] =	vst v2  }
.LBB2_2:
0x57: {  	p0 =	sne.s32 s21, $0x3E00  }
0x58: {  	[tilespmem:s22+$0x14290] =	vst v0;
	s20 =	sadd.s32 $0xA00, s20;
	s22 =	smov.u32 s21;
	s21 =	sadd.s32 $0x200, s21  }
0x59: {  	v0 =	vld [tilespmem:s20+$0xFFFFFB00]  }
0x5a: {  	v1 =	vld [tilespmem:s20+$0xFFFFFB10]  }
0x5b: {  	v2 =	vld [tilespmem:s20+$0xFFFFFB80]  }
0x5c: {  	v3 =	vld [tilespmem:s20+$0xFFFFFB90]  }
0x5d: {  	v4 =	vld [tilespmem:s20+$0xFFFFFC00]  }
0x5e: {  	v0 =	vadd.f32 $0.0e+00, v0;
	v5 =	vld [tilespmem:s20+$0xFFFFFC10]  }
0x5f: {  	v1 =	vadd.f32 $0.0e+00, v1;
	v6 =	vld [tilespmem:s20+$0xFFFFFC80]  }
0x60: {  	v0 =	vadd.f32 v2, v0;
	v2 =	vld [tilespmem:s20+$0xFFFFFC90]  }
0x61: {  	v1 =	vadd.f32 v3, v1;
	v3 =	vld [tilespmem:s20+$0xFFFFFD00]  }
0x62: {  	v0 =	vadd.f32 v4, v0;
	v4 =	vld [tilespmem:s20+$0xFFFFFD10]  }
0x63: {  	v1 =	vadd.f32 v5, v1;
	v5 =	vld [tilespmem:s20+$0xFFFFFD80]  }
0x64: {  	v0 =	vadd.f32 v6, v0;
	v6 =	vld [tilespmem:s20+$0xFFFFFD90]  }
0x65: {  	v1 =	vadd.f32 v2, v1;
	v2 =	vld [tilespmem:s20+$0xFFFFFE00]  }
0x66: {  	v0 =	vadd.f32 v3, v0;
	v3 =	vld [tilespmem:s20+$0xFFFFFE10]  }
0x67: {  	v1 =	vadd.f32 v4, v1;
	v4 =	vld [tilespmem:s20+$0xFFFFFE80]  }
0x68: {  	v0 =	vadd.f32 v5, v0;
	v5 =	vld [tilespmem:s20+$0xFFFFFE90]  }
0x69: {  	v1 =	vadd.f32 v6, v1;
	v6 =	vld [tilespmem:s20+$0xFFFFFF00]  }
0x6a: {  	v0 =	vadd.f32 v2, v0;
	v2 =	vld [tilespmem:s20+$0xFFFFFF10]  }
0x6b: {  	v1 =	vadd.f32 v3, v1;
	v3 =	vld [tilespmem:s20+$0xFFFFFF80]  }
0x6c: {  	v0 =	vadd.f32 v4, v0;
	v4 =	vld [tilespmem:s20+$0xFFFFFF90]  }
0x6d: {  	v1 =	vadd.f32 v5, v1;
	v5 =	vld [tilespmem:s20+$0x0]  }
0x6e: {  	v0 =	vadd.f32 v6, v0;
	v6 =	vld [tilespmem:s20+$0x10]  }
0x6f: {  	v1 =	vadd.f32 v2, v1;
	v2 =	vld [tilespmem:s20+$0x80]  }
0x70: {  	v0 =	vadd.f32 v3, v0;
	v3 =	vld [tilespmem:s20+$0x90]  }
0x71: {  	v1 =	vadd.f32 v4, v1;
	v4 =	vld [tilespmem:s20+$0x100]  }
0x72: {  	v0 =	vadd.f32 v5, v0;
	v5 =	vld [tilespmem:s20+$0x110]  }
0x73: {  	v1 =	vadd.f32 v6, v1;
	v6 =	vld [tilespmem:s20+$0x180]  }
0x74: {  	v0 =	vadd.f32 v2, v0;
	v2 =	vld [tilespmem:s20+$0x190]  }
0x75: {  	v1 =	vadd.f32 v3, v1;
	v3 =	vld [tilespmem:s20+$0x200]  }
0x76: {  	v0 =	vadd.f32 v4, v0;
	v4 =	vld [tilespmem:s20+$0x210]  }
0x77: {  	v1 =	vadd.f32 v5, v1;
	v5 =	vld [tilespmem:s20+$0x280]  }
0x78: {  	v0 =	vadd.f32 v6, v0;
	v6 =	vld [tilespmem:s20+$0x290]  }
0x79: {  	v1 =	vadd.f32 v2, v1;
	v2 =	vld [tilespmem:s20+$0x300]  }
0x7a: {  	v0 =	vadd.f32 v3, v0;
	v3 =	vld [tilespmem:s20+$0x310]  }
0x7b: {  	v1 =	vadd.f32 v4, v1;
	v4 =	vld [tilespmem:s20+$0x380]  }
0x7c: {  	v0 =	vadd.f32 v5, v0;
	v5 =	vld [tilespmem:s20+$0x390]  }
0x7d: {  	v1 =	vadd.f32 v6, v1;
	v6 =	vld [tilespmem:s20+$0x400]  }
0x7e: {  	v0 =	vadd.f32 v2, v0;
	v2 =	vld [tilespmem:s20+$0x410]  }
0x7f: {  	v1 =	vadd.f32 v3, v1;
	v3 =	vld [tilespmem:s20+$0x480]  }
0x80: {  	v0 =	vadd.f32 v4, v0;
	v4 =	vld [tilespmem:s20+$0x490]  }
0x81: {  	v1 =	vadd.f32 v5, v1  }
0x82: {  	v0 =	vadd.f32 v6, v0  }
0x83: {  	v1 =	vadd.f32 v2, v1  }
.Ltmp0:
0x84: {  	v0 =	vadd.f32 v3, v0;
	(pc) =	sbr.rel @p0 .LBB2_2-.Ltmp0, $4  }
0x85: {  	v1 =	vadd.f32 v4, v1  }
0x86: {  	v2 =	vmul.f32 $5.000000070e-02, v0  }
0x87: {  	s22 =	sshra.s32 s22, $0x2;
	v0 =	vmul.f32 $5.000000070e-02, v1  }
0x88: {  	[tilespmem:s22+$0x14280] =	vst v2  }
0x89: {  	s19 =	sadd.s32 $0x1, s19  }
0x8a: {  	p0 =	sne.s32 s19, s6  }
.Ltmp1:
0x8b: {  	[tilespmem:s22+$0x14290] =	vst v0;
	(pc) =	sbr.rel @p0 .LBB2_1-.Ltmp1, $4  }
0x8c: {  	[hbm4b:s5+s2] =	stream.linear.scatter [tilespmem:s18], [sflag:$0x2], $0x1000, $0x38;
	[tilespmem:$0x15280] =	vst v63  }
0x8d: {  	_ =	swait.ge [sflag:s7], $0x1000  }
0x8e: {  	[sflag:s7] =	ssyncset.done $0x0  }
0x8f: {  	[sflag:s7] =	ssyncadd.s32 $0xFFFFF000  }
0x90: {  	_ =	sfence.sel $0x180000  }
0x91: {  	[bflag:$0x0] =	sbarrier.arrive $0xFFFF  }
0x92: {  	p0 =	sne.s32 s0, $0x0;
	_ =	strace $0x90000047  }
0x93: {  	s0 =	sadd.s32 @!p0 $0x100000, s1;
	[bflag:$0x2] =	sbarrier.arrive $0xFFFF  }
0x94: {  	[sflag:s0] =	ssyncadd.tile.s32 @!p0 $0x1;
	_ =	shalt  }
.Lfunc_end2:
_tile_overlayer_lowered:
.L_overlay_start_2:
0x95: {  	(tag) =	ssettag $0x2  }
0x96: {  	s0 =	rddreg [dreg:$0x0];
	s2 =	stileid.u32  }
0x97: {  	s1 =	rddreg [dreg:$0x1];
	p0 =	sne.s32 s2, $0x0  }
0x98: {  	s3 =	rddreg [dreg:$0x2];
	[bflag:$0x3] =	sbarrier.arrive $0xFFFF;
	s2 =	simm.s32 @!p0 $0x1C02  }
0x99: {  	[timem:s3], [sflag:s2] =	dma.local @!p0 [hbm:s0], s1  }
0x9a: {  	s0 =	simm.s32 @!p0 $0x2  }
0x9b: {  	_ =	swait.ge @!p0 [sflag:s0], s1  }
0x9c: {  	s1 =	ssub.s32 @!p0 $0x0, s1;
	[sflag:s0] =	ssyncset.done @!p0 $0x0  }
0x9d: {  	[sflag:s0] =	ssyncadd.s32 @!p0 s1  }
0x9e: {  	[bflag:$0x3] =	sbarrier.arrive $0xFFFF  }
0x9f: {  	_ =	shalt  }

</sc_bundles>
